<compile_context>
chip_gen: v7x
topology: tpu7x:2x2x1
jax: 0.10.2.dev20260603
libtpu: 0.0.44.dev20260713+nightly
codegen_flags: <defaults>
</compile_context>

<pallas_src>
import functools

import jax
import jax.numpy as jnp
from jax import lax
from jax.experimental import pallas as pl
from jax.experimental.pallas import tpu as pltpu
from jax.experimental.pallas import tpu_sc as plsc

B = 128
N = 32768
BLOCK_ROWS = 64

_NUM_WORKERS = 32
_CHUNK_COLS = 4096
_COL_CHUNKS = N // _CHUNK_COLS
_N_CHUNKS = (B // 8) * _COL_CHUNKS
_CHUNKS_PER_WORKER = _N_CHUNKS // _NUM_WORKERS


def _softmax_block(x_ref, o_ref):
    x = x_ref[...]
    m = jnp.max(x, axis=1, keepdims=True)
    e = jnp.exp(x - m)
    s = jnp.sum(e, axis=1, keepdims=True)
    o_ref[...] = e * (1.0 / s)


def _tc_softmax(output_true):
    grid = (B // BLOCK_ROWS,)
    return pl.pallas_call(
        _softmax_block,
        grid=grid,
        in_specs=[pl.BlockSpec((BLOCK_ROWS, N), lambda i: (i, 0))],
        out_specs=pl.BlockSpec((BLOCK_ROWS, N), lambda i: (i, 0)),
        out_shape=jax.ShapeDtypeStruct((B, N), output_true.dtype),
    )(output_true)


@functools.partial(
    pl.kernel,
    mesh=plsc.VectorSubcoreMesh(core_axis_name="c", subcore_axis_name="s"),
    out_type=jax.ShapeDtypeStruct((B, N + 1), jnp.float32),
    scratch_types=[
        pltpu.VMEM((2, 8, _CHUNK_COLS), jnp.float32),
        pltpu.SemaphoreType.DMA((2,)),
    ],
)
def _sc_relayout(probs_hbm, out_hbm, buf, outsem):
    wid = lax.axis_index("s") * 2 + lax.axis_index("c")
    out_handles = {}
    for k in range(_CHUNKS_PER_WORKER):
        slot = k % 2
        if k >= 2:
            out_handles[k - 2].wait()
        chunk = wid * _CHUNKS_PER_WORKER + k
        a = chunk // _COL_CHUNKS
        c = chunk % _COL_CHUNKS
        rows = pl.ds(a * 8, 8)
        cols = pl.ds(c * _CHUNK_COLS, _CHUNK_COLS)
        pltpu.sync_copy(probs_hbm.at[rows, cols], buf.at[slot])
        out_handles[k] = pltpu.async_copy(
            buf.at[slot], out_hbm.at[rows, cols], outsem.at[slot]
        )
    out_handles[_CHUNKS_PER_WORKER - 2].wait()
    out_handles[_CHUNKS_PER_WORKER - 1].wait()


def _zero_col_body(o_in_ref, o_ref, zcol, sem):
    del o_in_ref
    zcol[...] = jnp.zeros_like(zcol)
    pltpu.make_async_copy(zcol, o_ref.at[:, pl.ds(N, 1)], sem).start()
    pltpu.make_async_copy(zcol, o_ref.at[:, pl.ds(N, 1)], sem).wait()


def _tc_zero_col(out):
    return pl.pallas_call(
        _zero_col_body,
        in_specs=[pl.BlockSpec(memory_space=pl.ANY)],
        out_specs=pl.BlockSpec(memory_space=pl.ANY),
        out_shape=jax.ShapeDtypeStruct((B, N + 1), jnp.float32),
        input_output_aliases={0: 0},
        scratch_shapes=[
            pltpu.VMEM((B, 1), jnp.float32),
            pltpu.SemaphoreType.DMA,
        ],
    )(out)


def kernel(output_true):
    probs = _tc_softmax(output_true)
    out = _sc_relayout(probs)
    return _tc_zero_col(out)

# --- scband reference (transcript-rebuilt; emitter-appended) ---
"""Pipeline reference for scband-end-layers-32573031973252 (READ-ONLY COPY).

The authoritative reference and input builder live on the scoring server;
editing this copy changes nothing except your own understanding.
"""

import jax, jax.numpy as jnp
import numpy as np

CUTOFF = 0.25
VAR_CUTOFF = 0.1


def setup_inputs(seed: int = 0) -> dict:
    key = jax.random.key(seed)
    output_true = jax.random.normal(key, (128, 32768), dtype=jnp.float32)
    return {"output_true": output_true}


def reference(output_true):
    # typesOfMod['Soft'] -> softmax over logits
    output_m = jax.nn.softmax(output_true, axis=1)
    # typesOfUnknown['Soft'] -> softMaxUnknown: append a zero 'unknown' column
    B = output_true.shape[0]
    unknown_col = jnp.zeros((B, 1), dtype=output_true.dtype)
    output_complete = jnp.concatenate([output_m, unknown_col], axis=1)
    # var_cutoff branch (var_cutoff[0] > 0 and type not in ['COOL']):
    # recompute the Soft path (identical here since end_type == 'Soft')
    output_m_soft = jax.nn.softmax(output_true, axis=1)
    output_c_soft = jnp.concatenate([output_m_soft, unknown_col], axis=1)
    # top-2 over the softmax probabilities and margin between the two best classes
    top_k_vals, _ = jax.lax.top_k(output_m_soft, 2)
    diff_topk = top_k_vals[:, 0] - top_k_vals[:, 1]
    thresh_mask = diff_topk < 0.5
    # varmax_mask: variance of the raw logits below the var filtering threshold
    var = jnp.var(output_true, axis=1)
    var_mask = var < VAR_CUTOFF
    keep_soft = ~(var_mask & thresh_mask)
    # output_complete[~(var_mask & thresh_mask)] = output_c_soft[...]
    out = jnp.where(keep_soft[:, None], output_c_soft, output_complete)
    return out

if __name__ == "__main__":
    import jax
    _d = setup_inputs()
    print(jax.jit(kernel)(*tuple(_d.values())))

</pallas_src>

<mosaic_0001>
#map = affine_map<(d0, d1) -> (0, 0)>
module attributes {stable_mosaic.version = 14 : i64} {
  func.func @_sc_relayout(%arg0: i32, %arg1: i32, %arg2: memref<128x32768xf32, #tpu.memory_space<hbm>>, %arg3: memref<128x32769xf32, #tpu.memory_space<hbm>>, %arg4: memref<2x8x4096xf32, #tpu.memory_space<vmem>>, %arg5: memref<2x!tpu.dma_semaphore, #tpu.memory_space<semaphore_mem>>) attributes {dimension_semantics = [#tpu.dimension_semantics<core_parallel>, #tpu.dimension_semantics<subcore_parallel>], iteration_bounds = array<i64: 2, 16>, scalar_prefetch = 0 : i64, scratch_operands = 2 : i64, tpu.core_type = #tpu.core_type<sc_vector_subcore>, window_params = [{transform_indices = #map}, {transform_indices = #map}]} {
    %mul3A = arith.constant 2 : i32
    %mul3A_0 = arith.muli %arg1, %mul3A : i32
    %add3A = arith.addi %mul3A_0, %arg0 : i32
    %mul3A_1 = arith.constant 4 : i32
    %mul3A_2 = arith.muli %add3A, %mul3A_1 : i32
    %add3A_3 = arith.constant 0 : i32
    %add3A_4 = arith.addi %mul3A_2, %add3A_3 : i32
    %jit3A = arith.constant 8 : i32
    %div3A = arith.divsi %add3A_4, %jit3A : i32
    %sign3A = arith.constant 0 : i32
    %sign3A_5 = arith.cmpi sgt, %add3A_4, %sign3A : i32
    %sign3A_6 = arith.extui %sign3A_5 : i1 to i32
    %sign3A_7 = arith.constant 0 : i32
    %sign3A_8 = arith.cmpi slt, %add3A_4, %sign3A_7 : i32
    %sign3A_9 = arith.extui %sign3A_8 : i1 to i32
    %sign3A_10 = arith.subi %sign3A_6, %sign3A_9 : i32
    %sign3A_11 = arith.constant 0 : i32
    %sign3A_12 = arith.cmpi sgt, %jit3A, %sign3A_11 : i32
    %sign3A_13 = arith.extui %sign3A_12 : i1 to i32
    %sign3A_14 = arith.constant 0 : i32
    %sign3A_15 = arith.cmpi slt, %jit3A, %sign3A_14 : i32
    %sign3A_16 = arith.extui %sign3A_15 : i1 to i32
    %sign3A_17 = arith.subi %sign3A_13, %sign3A_16 : i32
    %ne3A = arith.cmpi ne, %sign3A_10, %sign3A_17 : i32
    %rem3A = arith.remsi %add3A_4, %jit3A : i32
    %ne3A_18 = arith.constant 0 : i32
    %ne3A_19 = arith.cmpi ne, %rem3A, %ne3A_18 : i32
    %and3A = arith.andi %ne3A, %ne3A_19 : i1
    %sub3A = arith.constant 1 : i32
    %sub3A_20 = arith.subi %div3A, %sub3A : i32
    %select_n3A = arith.select %and3A, %sub3A_20, %div3A : i32
    %jit3A_21 = arith.constant 8 : i32
    %eq3A = arith.constant 0 : i32
    %eq3A_22 = arith.cmpi eq, %jit3A_21, %eq3A : i32
    %jit3A_23 = arith.constant 1 : i32
    %select_n3A_24 = arith.select %eq3A_22, %jit3A_23, %jit3A_21 : i32
    %rem3A_25 = arith.remsi %add3A_4, %select_n3A_24 : i32
    %ne3A_26 = arith.constant 0 : i32
    %ne3A_27 = arith.cmpi ne, %rem3A_25, %ne3A_26 : i32
    %lt3A = arith.constant 0 : i32
    %lt3A_28 = arith.cmpi slt, %rem3A_25, %lt3A : i32
    %lt3A_29 = arith.constant 0 : i32
    %lt3A_30 = arith.cmpi slt, %select_n3A_24, %lt3A_29 : i32
    %ne3A_31 = arith.xori %lt3A_28, %lt3A_30 : i1
    %and3A_32 = arith.andi %ne3A_31, %ne3A_27 : i1
    %add3A_33 = arith.addi %rem3A_25, %select_n3A_24 : i32
    %select_n3A_34 = arith.select %and3A_32, %add3A_33, %rem3A_25 : i32
    %mul3A_35 = arith.constant 8 : i32
    %mul3A_36 = arith.muli %select_n3A, %mul3A_35 : i32
    %mul3A_37 = arith.constant 4096 : i32
    %mul3A_38 = arith.muli %select_n3A_34, %mul3A_37 : i32
    %run_scoped3A = arith.constant 0 : i32
    "tpu.region"() ({
      %run_scoped3A_296 = tpu.sem_alloc : memref<!tpu.dma_semaphore, #tpu.memory_space<semaphore_mem>>
      %dma_start3A_297 = arith.constant 0 : i32
      %dma_start3A_298 = arith.constant 0 : i32
      %dma_start3A_299 = tpu.memref_slice %arg4[%run_scoped3A, %dma_start3A_297, %dma_start3A_298] : memref<2x8x4096xf32, #tpu.memory_space<vmem>> -> memref<1x8x4096xf32, #tpu.memory_space<vmem>>
      %dma_start3A_300 = tpu.memref_squeeze %dma_start3A_299 : memref<1x8x4096xf32, #tpu.memory_space<vmem>> -> memref<8x4096xf32, #tpu.memory_space<vmem>>
      %dma_start3A_301 = tpu.memref_slice %arg2[%mul3A_36, %mul3A_38] : memref<128x32768xf32, #tpu.memory_space<hbm>> -> memref<8x4096xf32, #tpu.memory_space<hbm>>
      %dma_start3A_302 = arith.constant 0 : i32
      %dma_start3A_303 = arith.constant 0 : i32
      %dma_start3A_304 = tpu.memref_slice %arg4[%run_scoped3A, %dma_start3A_302, %dma_start3A_303] : memref<2x8x4096xf32, #tpu.memory_space<vmem>> -> memref<1x8x4096xf32, #tpu.memory_space<vmem>>
      %dma_start3A_305 = tpu.memref_squeeze %dma_start3A_304 : memref<1x8x4096xf32, #tpu.memory_space<vmem>> -> memref<8x4096xf32, #tpu.memory_space<vmem>>
      %dma_start3A_306 = tpu.memref_slice %arg2[%mul3A_36, %mul3A_38] : memref<128x32768xf32, #tpu.memory_space<hbm>> -> memref<8x4096xf32, #tpu.memory_space<hbm>>
      tpu.enqueue_dma source(%dma_start3A_306 : memref<8x4096xf32, #tpu.memory_space<hbm>>) target(%dma_start3A_305 : memref<8x4096xf32, #tpu.memory_space<vmem>>) target_semaphore(%run_scoped3A_296 : memref<!tpu.dma_semaphore, #tpu.memory_space<semaphore_mem>>)
      %dma_wait3A_307 = arith.constant 0 : i32
      %dma_wait3A_308 = arith.constant 0 : i32
      %dma_wait3A_309 = tpu.memref_slice %arg4[%run_scoped3A, %dma_wait3A_307, %dma_wait3A_308] : memref<2x8x4096xf32, #tpu.memory_space<vmem>> -> memref<1x8x4096xf32, #tpu.memory_space<vmem>>
      %dma_wait3A_310 = tpu.memref_squeeze %dma_wait3A_309 : memref<1x8x4096xf32, #tpu.memory_space<vmem>> -> memref<8x4096xf32, #tpu.memory_space<vmem>>
      %dma_wait3A_311 = tpu.memref_slice %arg2[%mul3A_36, %mul3A_38] : memref<128x32768xf32, #tpu.memory_space<hbm>> -> memref<8x4096xf32, #tpu.memory_space<hbm>>
      %dma_wait3A_312 = arith.constant 0 : i32
      %dma_wait3A_313 = arith.constant 0 : i32
      %dma_wait3A_314 = tpu.memref_slice %arg4[%run_scoped3A, %dma_wait3A_312, %dma_wait3A_313] : memref<2x8x4096xf32, #tpu.memory_space<vmem>> -> memref<1x8x4096xf32, #tpu.memory_space<vmem>>
      %dma_wait3A_315 = tpu.memref_squeeze %dma_wait3A_314 : memref<1x8x4096xf32, #tpu.memory_space<vmem>> -> memref<8x4096xf32, #tpu.memory_space<vmem>>
      %dma_wait3A_316 = tpu.memref_slice %arg2[%mul3A_36, %mul3A_38] : memref<128x32768xf32, #tpu.memory_space<hbm>> -> memref<8x4096xf32, #tpu.memory_space<hbm>>
      tpu.wait_dma2 semaphore(%run_scoped3A_296 : memref<!tpu.dma_semaphore, #tpu.memory_space<semaphore_mem>>) src(%dma_wait3A_316 : memref<8x4096xf32, #tpu.memory_space<hbm>>) dst(%dma_wait3A_315 : memref<8x4096xf32, #tpu.memory_space<vmem>>)
      tpu.yield
    }) : () -> ()
    %dma_start3A = arith.constant 0 : i32
    %dma_start3A_39 = arith.constant 0 : i32
    %dma_start3A_40 = arith.constant 0 : i32
    %dma_start3A_41 = arith.constant 0 : i32
    %dma_start3A_42 = tpu.memref_slice %arg4[%dma_start3A, %dma_start3A_40, %dma_start3A_41] : memref<2x8x4096xf32, #tpu.memory_space<vmem>> -> memref<1x8x4096xf32, #tpu.memory_space<vmem>>
    %dma_start3A_43 = tpu.memref_squeeze %dma_start3A_42 : memref<1x8x4096xf32, #tpu.memory_space<vmem>> -> memref<8x4096xf32, #tpu.memory_space<vmem>>
    %dma_start3A_44 = tpu.memref_slice %arg3[%mul3A_36, %mul3A_38] : memref<128x32769xf32, #tpu.memory_space<hbm>> -> memref<8x4096xf32, #tpu.memory_space<hbm>>
    %dma_start3A_45 = tpu.memref_slice %arg5[%dma_start3A_39] : memref<2x!tpu.dma_semaphore, #tpu.memory_space<semaphore_mem>> -> memref<1x!tpu.dma_semaphore, #tpu.memory_space<semaphore_mem>>
    %dma_start3A_46 = tpu.memref_squeeze %dma_start3A_45 : memref<1x!tpu.dma_semaphore, #tpu.memory_space<semaphore_mem>> -> memref<!tpu.dma_semaphore, #tpu.memory_space<semaphore_mem>>
    %dma_start3A_47 = tpu.memref_slice %arg3[%mul3A_36, %mul3A_38] : memref<128x32769xf32, #tpu.memory_space<hbm>> -> memref<8x4096xf32, #tpu.memory_space<hbm>>
    %dma_start3A_48 = arith.constant 0 : i32
    %dma_start3A_49 = arith.constant 0 : i32
    %dma_start3A_50 = tpu.memref_slice %arg4[%dma_start3A, %dma_start3A_48, %dma_start3A_49] : memref<2x8x4096xf32, #tpu.memory_space<vmem>> -> memref<1x8x4096xf32, #tpu.memory_space<vmem>>
    %dma_start3A_51 = tpu.memref_squeeze %dma_start3A_50 : memref<1x8x4096xf32, #tpu.memory_space<vmem>> -> memref<8x4096xf32, #tpu.memory_space<vmem>>
    tpu.enqueue_dma source(%dma_start3A_51 : memref<8x4096xf32, #tpu.memory_space<vmem>>) target(%dma_start3A_47 : memref<8x4096xf32, #tpu.memory_space<hbm>>) target_semaphore(%dma_start3A_46 : memref<!tpu.dma_semaphore, #tpu.memory_space<semaphore_mem>>)
    %mul3A_52 = arith.constant 4 : i32
    %mul3A_53 = arith.muli %add3A, %mul3A_52 : i32
    %add3A_54 = arith.constant 1 : i32
    %add3A_55 = arith.addi %mul3A_53, %add3A_54 : i32
    %jit3A_56 = arith.constant 8 : i32
    %div3A_57 = arith.divsi %add3A_55, %jit3A_56 : i32
    %sign3A_58 = arith.constant 0 : i32
    %sign3A_59 = arith.cmpi sgt, %add3A_55, %sign3A_58 : i32
    %sign3A_60 = arith.extui %sign3A_59 : i1 to i32
    %sign3A_61 = arith.constant 0 : i32
    %sign3A_62 = arith.cmpi slt, %add3A_55, %sign3A_61 : i32
    %sign3A_63 = arith.extui %sign3A_62 : i1 to i32
    %sign3A_64 = arith.subi %sign3A_60, %sign3A_63 : i32
    %sign3A_65 = arith.constant 0 : i32
    %sign3A_66 = arith.cmpi sgt, %jit3A_56, %sign3A_65 : i32
    %sign3A_67 = arith.extui %sign3A_66 : i1 to i32
    %sign3A_68 = arith.constant 0 : i32
    %sign3A_69 = arith.cmpi slt, %jit3A_56, %sign3A_68 : i32
    %sign3A_70 = arith.extui %sign3A_69 : i1 to i32
    %sign3A_71 = arith.subi %sign3A_67, %sign3A_70 : i32
    %ne3A_72 = arith.cmpi ne, %sign3A_64, %sign3A_71 : i32
    %rem3A_73 = arith.remsi %add3A_55, %jit3A_56 : i32
    %ne3A_74 = arith.constant 0 : i32
    %ne3A_75 = arith.cmpi ne, %rem3A_73, %ne3A_74 : i32
    %and3A_76 = arith.andi %ne3A_72, %ne3A_75 : i1
    %sub3A_77 = arith.constant 1 : i32
    %sub3A_78 = arith.subi %div3A_57, %sub3A_77 : i32
    %select_n3A_79 = arith.select %and3A_76, %sub3A_78, %div3A_57 : i32
    %jit3A_80 = arith.constant 8 : i32
    %eq3A_81 = arith.constant 0 : i32
    %eq3A_82 = arith.cmpi eq, %jit3A_80, %eq3A_81 : i32
    %jit3A_83 = arith.constant 1 : i32
    %select_n3A_84 = arith.select %eq3A_82, %jit3A_83, %jit3A_80 : i32
    %rem3A_85 = arith.remsi %add3A_55, %select_n3A_84 : i32
    %ne3A_86 = arith.constant 0 : i32
    %ne3A_87 = arith.cmpi ne, %rem3A_85, %ne3A_86 : i32
    %lt3A_88 = arith.constant 0 : i32
    %lt3A_89 = arith.cmpi slt, %rem3A_85, %lt3A_88 : i32
    %lt3A_90 = arith.constant 0 : i32
    %lt3A_91 = arith.cmpi slt, %select_n3A_84, %lt3A_90 : i32
    %ne3A_92 = arith.xori %lt3A_89, %lt3A_91 : i1
    %and3A_93 = arith.andi %ne3A_92, %ne3A_87 : i1
    %add3A_94 = arith.addi %rem3A_85, %select_n3A_84 : i32
    %select_n3A_95 = arith.select %and3A_93, %add3A_94, %rem3A_85 : i32
    %mul3A_96 = arith.constant 8 : i32
    %mul3A_97 = arith.muli %select_n3A_79, %mul3A_96 : i32
    %mul3A_98 = arith.constant 4096 : i32
    %mul3A_99 = arith.muli %select_n3A_95, %mul3A_98 : i32
    %run_scoped3A_100 = arith.constant 1 : i32
    "tpu.region"() ({
      %run_scoped3A_296 = tpu.sem_alloc : memref<!tpu.dma_semaphore, #tpu.memory_space<semaphore_mem>>
      %dma_start3A_297 = arith.constant 0 : i32
      %dma_start3A_298 = arith.constant 0 : i32
      %dma_start3A_299 = tpu.memref_slice %arg4[%run_scoped3A_100, %dma_start3A_297, %dma_start3A_298] : memref<2x8x4096xf32, #tpu.memory_space<vmem>> -> memref<1x8x4096xf32, #tpu.memory_space<vmem>>
      %dma_start3A_300 = tpu.memref_squeeze %dma_start3A_299 : memref<1x8x4096xf32, #tpu.memory_space<vmem>> -> memref<8x4096xf32, #tpu.memory_space<vmem>>
      %dma_start3A_301 = tpu.memref_slice %arg2[%mul3A_97, %mul3A_99] : memref<128x32768xf32, #tpu.memory_space<hbm>> -> memref<8x4096xf32, #tpu.memory_space<hbm>>
      %dma_start3A_302 = arith.constant 0 : i32
      %dma_start3A_303 = arith.constant 0 : i32
      %dma_start3A_304 = tpu.memref_slice %arg4[%run_scoped3A_100, %dma_start3A_302, %dma_start3A_303] : memref<2x8x4096xf32, #tpu.memory_space<vmem>> -> memref<1x8x4096xf32, #tpu.memory_space<vmem>>
      %dma_start3A_305 = tpu.memref_squeeze %dma_start3A_304 : memref<1x8x4096xf32, #tpu.memory_space<vmem>> -> memref<8x4096xf32, #tpu.memory_space<vmem>>
      %dma_start3A_306 = tpu.memref_slice %arg2[%mul3A_97, %mul3A_99] : memref<128x32768xf32, #tpu.memory_space<hbm>> -> memref<8x4096xf32, #tpu.memory_space<hbm>>
      tpu.enqueue_dma source(%dma_start3A_306 : memref<8x4096xf32, #tpu.memory_space<hbm>>) target(%dma_start3A_305 : memref<8x4096xf32, #tpu.memory_space<vmem>>) target_semaphore(%run_scoped3A_296 : memref<!tpu.dma_semaphore, #tpu.memory_space<semaphore_mem>>)
      %dma_wait3A_307 = arith.constant 0 : i32
      %dma_wait3A_308 = arith.constant 0 : i32
      %dma_wait3A_309 = tpu.memref_slice %arg4[%run_scoped3A_100, %dma_wait3A_307, %dma_wait3A_308] : memref<2x8x4096xf32, #tpu.memory_space<vmem>> -> memref<1x8x4096xf32, #tpu.memory_space<vmem>>
      %dma_wait3A_310 = tpu.memref_squeeze %dma_wait3A_309 : memref<1x8x4096xf32, #tpu.memory_space<vmem>> -> memref<8x4096xf32, #tpu.memory_space<vmem>>
      %dma_wait3A_311 = tpu.memref_slice %arg2[%mul3A_97, %mul3A_99] : memref<128x32768xf32, #tpu.memory_space<hbm>> -> memref<8x4096xf32, #tpu.memory_space<hbm>>
      %dma_wait3A_312 = arith.constant 0 : i32
      %dma_wait3A_313 = arith.constant 0 : i32
      %dma_wait3A_314 = tpu.memref_slice %arg4[%run_scoped3A_100, %dma_wait3A_312, %dma_wait3A_313] : memref<2x8x4096xf32, #tpu.memory_space<vmem>> -> memref<1x8x4096xf32, #tpu.memory_space<vmem>>
      %dma_wait3A_315 = tpu.memref_squeeze %dma_wait3A_314 : memref<1x8x4096xf32, #tpu.memory_space<vmem>> -> memref<8x4096xf32, #tpu.memory_space<vmem>>
      %dma_wait3A_316 = tpu.memref_slice %arg2[%mul3A_97, %mul3A_99] : memref<128x32768xf32, #tpu.memory_space<hbm>> -> memref<8x4096xf32, #tpu.memory_space<hbm>>
      tpu.wait_dma2 semaphore(%run_scoped3A_296 : memref<!tpu.dma_semaphore, #tpu.memory_space<semaphore_mem>>) src(%dma_wait3A_316 : memref<8x4096xf32, #tpu.memory_space<hbm>>) dst(%dma_wait3A_315 : memref<8x4096xf32, #tpu.memory_space<vmem>>)
      tpu.yield
    }) : () -> ()
    %dma_start3A_101 = arith.constant 1 : i32
    %dma_start3A_102 = arith.constant 1 : i32
    %dma_start3A_103 = arith.constant 0 : i32
    %dma_start3A_104 = arith.constant 0 : i32
    %dma_start3A_105 = tpu.memref_slice %arg4[%dma_start3A_101, %dma_start3A_103, %dma_start3A_104] : memref<2x8x4096xf32, #tpu.memory_space<vmem>> -> memref<1x8x4096xf32, #tpu.memory_space<vmem>>
    %dma_start3A_106 = tpu.memref_squeeze %dma_start3A_105 : memref<1x8x4096xf32, #tpu.memory_space<vmem>> -> memref<8x4096xf32, #tpu.memory_space<vmem>>
    %dma_start3A_107 = tpu.memref_slice %arg3[%mul3A_97, %mul3A_99] : memref<128x32769xf32, #tpu.memory_space<hbm>> -> memref<8x4096xf32, #tpu.memory_space<hbm>>
    %dma_start3A_108 = tpu.memref_slice %arg5[%dma_start3A_102] : memref<2x!tpu.dma_semaphore, #tpu.memory_space<semaphore_mem>> -> memref<1x!tpu.dma_semaphore, #tpu.memory_space<semaphore_mem>>
    %dma_start3A_109 = tpu.memref_squeeze %dma_start3A_108 : memref<1x!tpu.dma_semaphore, #tpu.memory_space<semaphore_mem>> -> memref<!tpu.dma_semaphore, #tpu.memory_space<semaphore_mem>>
    %dma_start3A_110 = tpu.memref_slice %arg3[%mul3A_97, %mul3A_99] : memref<128x32769xf32, #tpu.memory_space<hbm>> -> memref<8x4096xf32, #tpu.memory_space<hbm>>
    %dma_start3A_111 = arith.constant 0 : i32
    %dma_start3A_112 = arith.constant 0 : i32
    %dma_start3A_113 = tpu.memref_slice %arg4[%dma_start3A_101, %dma_start3A_111, %dma_start3A_112] : memref<2x8x4096xf32, #tpu.memory_space<vmem>> -> memref<1x8x4096xf32, #tpu.memory_space<vmem>>
    %dma_start3A_114 = tpu.memref_squeeze %dma_start3A_113 : memref<1x8x4096xf32, #tpu.memory_space<vmem>> -> memref<8x4096xf32, #tpu.memory_space<vmem>>
    tpu.enqueue_dma source(%dma_start3A_114 : memref<8x4096xf32, #tpu.memory_space<vmem>>) target(%dma_start3A_110 : memref<8x4096xf32, #tpu.memory_space<hbm>>) target_semaphore(%dma_start3A_109 : memref<!tpu.dma_semaphore, #tpu.memory_space<semaphore_mem>>)
    %dma_wait3A = arith.constant 0 : i32
    %dma_wait3A_115 = arith.constant 0 : i32
    %dma_wait3A_116 = arith.constant 0 : i32
    %dma_wait3A_117 = arith.constant 0 : i32
    %dma_wait3A_118 = tpu.memref_slice %arg4[%dma_wait3A, %dma_wait3A_116, %dma_wait3A_117] : memref<2x8x4096xf32, #tpu.memory_space<vmem>> -> memref<1x8x4096xf32, #tpu.memory_space<vmem>>
    %dma_wait3A_119 = tpu.memref_squeeze %dma_wait3A_118 : memref<1x8x4096xf32, #tpu.memory_space<vmem>> -> memref<8x4096xf32, #tpu.memory_space<vmem>>
    %dma_wait3A_120 = tpu.memref_slice %arg3[%mul3A_36, %mul3A_38] : memref<128x32769xf32, #tpu.memory_space<hbm>> -> memref<8x4096xf32, #tpu.memory_space<hbm>>
    %dma_wait3A_121 = tpu.memref_slice %arg5[%dma_wait3A_115] : memref<2x!tpu.dma_semaphore, #tpu.memory_space<semaphore_mem>> -> memref<1x!tpu.dma_semaphore, #tpu.memory_space<semaphore_mem>>
    %dma_wait3A_122 = tpu.memref_squeeze %dma_wait3A_121 : memref<1x!tpu.dma_semaphore, #tpu.memory_space<semaphore_mem>> -> memref<!tpu.dma_semaphore, #tpu.memory_space<semaphore_mem>>
    %dma_wait3A_123 = tpu.memref_slice %arg3[%mul3A_36, %mul3A_38] : memref<128x32769xf32, #tpu.memory_space<hbm>> -> memref<8x4096xf32, #tpu.memory_space<hbm>>
    %dma_wait3A_124 = arith.constant 0 : i32
    %dma_wait3A_125 = arith.constant 0 : i32
    %dma_wait3A_126 = tpu.memref_slice %arg4[%dma_wait3A, %dma_wait3A_124, %dma_wait3A_125] : memref<2x8x4096xf32, #tpu.memory_space<vmem>> -> memref<1x8x4096xf32, #tpu.memory_space<vmem>>
    %dma_wait3A_127 = tpu.memref_squeeze %dma_wait3A_126 : memref<1x8x4096xf32, #tpu.memory_space<vmem>> -> memref<8x4096xf32, #tpu.memory_space<vmem>>
    tpu.wait_dma2 semaphore(%dma_wait3A_122 : memref<!tpu.dma_semaphore, #tpu.memory_space<semaphore_mem>>) src(%dma_wait3A_127 : memref<8x4096xf32, #tpu.memory_space<vmem>>) dst(%dma_wait3A_123 : memref<8x4096xf32, #tpu.memory_space<hbm>>)
    %mul3A_128 = arith.constant 4 : i32
    %mul3A_129 = arith.muli %add3A, %mul3A_128 : i32
    %add3A_130 = arith.constant 2 : i32
    %add3A_131 = arith.addi %mul3A_129, %add3A_130 : i32
    %jit3A_132 = arith.constant 8 : i32
    %div3A_133 = arith.divsi %add3A_131, %jit3A_132 : i32
    %sign3A_134 = arith.constant 0 : i32
    %sign3A_135 = arith.cmpi sgt, %add3A_131, %sign3A_134 : i32
    %sign3A_136 = arith.extui %sign3A_135 : i1 to i32
    %sign3A_137 = arith.constant 0 : i32
    %sign3A_138 = arith.cmpi slt, %add3A_131, %sign3A_137 : i32
    %sign3A_139 = arith.extui %sign3A_138 : i1 to i32
    %sign3A_140 = arith.subi %sign3A_136, %sign3A_139 : i32
    %sign3A_141 = arith.constant 0 : i32
    %sign3A_142 = arith.cmpi sgt, %jit3A_132, %sign3A_141 : i32
    %sign3A_143 = arith.extui %sign3A_142 : i1 to i32
    %sign3A_144 = arith.constant 0 : i32
    %sign3A_145 = arith.cmpi slt, %jit3A_132, %sign3A_144 : i32
    %sign3A_146 = arith.extui %sign3A_145 : i1 to i32
    %sign3A_147 = arith.subi %sign3A_143, %sign3A_146 : i32
    %ne3A_148 = arith.cmpi ne, %sign3A_140, %sign3A_147 : i32
    %rem3A_149 = arith.remsi %add3A_131, %jit3A_132 : i32
    %ne3A_150 = arith.constant 0 : i32
    %ne3A_151 = arith.cmpi ne, %rem3A_149, %ne3A_150 : i32
    %and3A_152 = arith.andi %ne3A_148, %ne3A_151 : i1
    %sub3A_153 = arith.constant 1 : i32
    %sub3A_154 = arith.subi %div3A_133, %sub3A_153 : i32
    %select_n3A_155 = arith.select %and3A_152, %sub3A_154, %div3A_133 : i32
    %jit3A_156 = arith.constant 8 : i32
    %eq3A_157 = arith.constant 0 : i32
    %eq3A_158 = arith.cmpi eq, %jit3A_156, %eq3A_157 : i32
    %jit3A_159 = arith.constant 1 : i32
    %select_n3A_160 = arith.select %eq3A_158, %jit3A_159, %jit3A_156 : i32
    %rem3A_161 = arith.remsi %add3A_131, %select_n3A_160 : i32
    %ne3A_162 = arith.constant 0 : i32
    %ne3A_163 = arith.cmpi ne, %rem3A_161, %ne3A_162 : i32
    %lt3A_164 = arith.constant 0 : i32
    %lt3A_165 = arith.cmpi slt, %rem3A_161, %lt3A_164 : i32
    %lt3A_166 = arith.constant 0 : i32
    %lt3A_167 = arith.cmpi slt, %select_n3A_160, %lt3A_166 : i32
    %ne3A_168 = arith.xori %lt3A_165, %lt3A_167 : i1
    %and3A_169 = arith.andi %ne3A_168, %ne3A_163 : i1
    %add3A_170 = arith.addi %rem3A_161, %select_n3A_160 : i32
    %select_n3A_171 = arith.select %and3A_169, %add3A_170, %rem3A_161 : i32
    %mul3A_172 = arith.constant 8 : i32
    %mul3A_173 = arith.muli %select_n3A_155, %mul3A_172 : i32
    %mul3A_174 = arith.constant 4096 : i32
    %mul3A_175 = arith.muli %select_n3A_171, %mul3A_174 : i32
    %run_scoped3A_176 = arith.constant 0 : i32
    "tpu.region"() ({
      %run_scoped3A_296 = tpu.sem_alloc : memref<!tpu.dma_semaphore, #tpu.memory_space<semaphore_mem>>
      %dma_start3A_297 = arith.constant 0 : i32
      %dma_start3A_298 = arith.constant 0 : i32
      %dma_start3A_299 = tpu.memref_slice %arg4[%run_scoped3A_176, %dma_start3A_297, %dma_start3A_298] : memref<2x8x4096xf32, #tpu.memory_space<vmem>> -> memref<1x8x4096xf32, #tpu.memory_space<vmem>>
      %dma_start3A_300 = tpu.memref_squeeze %dma_start3A_299 : memref<1x8x4096xf32, #tpu.memory_space<vmem>> -> memref<8x4096xf32, #tpu.memory_space<vmem>>
      %dma_start3A_301 = tpu.memref_slice %arg2[%mul3A_173, %mul3A_175] : memref<128x32768xf32, #tpu.memory_space<hbm>> -> memref<8x4096xf32, #tpu.memory_space<hbm>>
      %dma_start3A_302 = arith.constant 0 : i32
      %dma_start3A_303 = arith.constant 0 : i32
      %dma_start3A_304 = tpu.memref_slice %arg4[%run_scoped3A_176, %dma_start3A_302, %dma_start3A_303] : memref<2x8x4096xf32, #tpu.memory_space<vmem>> -> memref<1x8x4096xf32, #tpu.memory_space<vmem>>
      %dma_start3A_305 = tpu.memref_squeeze %dma_start3A_304 : memref<1x8x4096xf32, #tpu.memory_space<vmem>> -> memref<8x4096xf32, #tpu.memory_space<vmem>>
      %dma_start3A_306 = tpu.memref_slice %arg2[%mul3A_173, %mul3A_175] : memref<128x32768xf32, #tpu.memory_space<hbm>> -> memref<8x4096xf32, #tpu.memory_space<hbm>>
      tpu.enqueue_dma source(%dma_start3A_306 : memref<8x4096xf32, #tpu.memory_space<hbm>>) target(%dma_start3A_305 : memref<8x4096xf32, #tpu.memory_space<vmem>>) target_semaphore(%run_scoped3A_296 : memref<!tpu.dma_semaphore, #tpu.memory_space<semaphore_mem>>)
      %dma_wait3A_307 = arith.constant 0 : i32
      %dma_wait3A_308 = arith.constant 0 : i32
      %dma_wait3A_309 = tpu.memref_slice %arg4[%run_scoped3A_176, %dma_wait3A_307, %dma_wait3A_308] : memref<2x8x4096xf32, #tpu.memory_space<vmem>> -> memref<1x8x4096xf32, #tpu.memory_space<vmem>>
      %dma_wait3A_310 = tpu.memref_squeeze %dma_wait3A_309 : memref<1x8x4096xf32, #tpu.memory_space<vmem>> -> memref<8x4096xf32, #tpu.memory_space<vmem>>
      %dma_wait3A_311 = tpu.memref_slice %arg2[%mul3A_173, %mul3A_175] : memref<128x32768xf32, #tpu.memory_space<hbm>> -> memref<8x4096xf32, #tpu.memory_space<hbm>>
      %dma_wait3A_312 = arith.constant 0 : i32
      %dma_wait3A_313 = arith.constant 0 : i32
      %dma_wait3A_314 = tpu.memref_slice %arg4[%run_scoped3A_176, %dma_wait3A_312, %dma_wait3A_313] : memref<2x8x4096xf32, #tpu.memory_space<vmem>> -> memref<1x8x4096xf32, #tpu.memory_space<vmem>>
      %dma_wait3A_315 = tpu.memref_squeeze %dma_wait3A_314 : memref<1x8x4096xf32, #tpu.memory_space<vmem>> -> memref<8x4096xf32, #tpu.memory_space<vmem>>
      %dma_wait3A_316 = tpu.memref_slice %arg2[%mul3A_173, %mul3A_175] : memref<128x32768xf32, #tpu.memory_space<hbm>> -> memref<8x4096xf32, #tpu.memory_space<hbm>>
      tpu.wait_dma2 semaphore(%run_scoped3A_296 : memref<!tpu.dma_semaphore, #tpu.memory_space<semaphore_mem>>) src(%dma_wait3A_316 : memref<8x4096xf32, #tpu.memory_space<hbm>>) dst(%dma_wait3A_315 : memref<8x4096xf32, #tpu.memory_space<vmem>>)
      tpu.yield
    }) : () -> ()
    %dma_start3A_177 = arith.constant 0 : i32
    %dma_start3A_178 = arith.constant 0 : i32
    %dma_start3A_179 = arith.constant 0 : i32
    %dma_start3A_180 = arith.constant 0 : i32
    %dma_start3A_181 = tpu.memref_slice %arg4[%dma_start3A_177, %dma_start3A_179, %dma_start3A_180] : memref<2x8x4096xf32, #tpu.memory_space<vmem>> -> memref<1x8x4096xf32, #tpu.memory_space<vmem>>
    %dma_start3A_182 = tpu.memref_squeeze %dma_start3A_181 : memref<1x8x4096xf32, #tpu.memory_space<vmem>> -> memref<8x4096xf32, #tpu.memory_space<vmem>>
    %dma_start3A_183 = tpu.memref_slice %arg3[%mul3A_173, %mul3A_175] : memref<128x32769xf32, #tpu.memory_space<hbm>> -> memref<8x4096xf32, #tpu.memory_space<hbm>>
    %dma_start3A_184 = tpu.memref_slice %arg5[%dma_start3A_178] : memref<2x!tpu.dma_semaphore, #tpu.memory_space<semaphore_mem>> -> memref<1x!tpu.dma_semaphore, #tpu.memory_space<semaphore_mem>>
    %dma_start3A_185 = tpu.memref_squeeze %dma_start3A_184 : memref<1x!tpu.dma_semaphore, #tpu.memory_space<semaphore_mem>> -> memref<!tpu.dma_semaphore, #tpu.memory_space<semaphore_mem>>
    %dma_start3A_186 = tpu.memref_slice %arg3[%mul3A_173, %mul3A_175] : memref<128x32769xf32, #tpu.memory_space<hbm>> -> memref<8x4096xf32, #tpu.memory_space<hbm>>
    %dma_start3A_187 = arith.constant 0 : i32
    %dma_start3A_188 = arith.constant 0 : i32
    %dma_start3A_189 = tpu.memref_slice %arg4[%dma_start3A_177, %dma_start3A_187, %dma_start3A_188] : memref<2x8x4096xf32, #tpu.memory_space<vmem>> -> memref<1x8x4096xf32, #tpu.memory_space<vmem>>
    %dma_start3A_190 = tpu.memref_squeeze %dma_start3A_189 : memref<1x8x4096xf32, #tpu.memory_space<vmem>> -> memref<8x4096xf32, #tpu.memory_space<vmem>>
    tpu.enqueue_dma source(%dma_start3A_190 : memref<8x4096xf32, #tpu.memory_space<vmem>>) target(%dma_start3A_186 : memref<8x4096xf32, #tpu.memory_space<hbm>>) target_semaphore(%dma_start3A_185 : memref<!tpu.dma_semaphore, #tpu.memory_space<semaphore_mem>>)
    %dma_wait3A_191 = arith.constant 1 : i32
    %dma_wait3A_192 = arith.constant 1 : i32
    %dma_wait3A_193 = arith.constant 0 : i32
    %dma_wait3A_194 = arith.constant 0 : i32
    %dma_wait3A_195 = tpu.memref_slice %arg4[%dma_wait3A_191, %dma_wait3A_193, %dma_wait3A_194] : memref<2x8x4096xf32, #tpu.memory_space<vmem>> -> memref<1x8x4096xf32, #tpu.memory_space<vmem>>
    %dma_wait3A_196 = tpu.memref_squeeze %dma_wait3A_195 : memref<1x8x4096xf32, #tpu.memory_space<vmem>> -> memref<8x4096xf32, #tpu.memory_space<vmem>>
    %dma_wait3A_197 = tpu.memref_slice %arg3[%mul3A_97, %mul3A_99] : memref<128x32769xf32, #tpu.memory_space<hbm>> -> memref<8x4096xf32, #tpu.memory_space<hbm>>
    %dma_wait3A_198 = tpu.memref_slice %arg5[%dma_wait3A_192] : memref<2x!tpu.dma_semaphore, #tpu.memory_space<semaphore_mem>> -> memref<1x!tpu.dma_semaphore, #tpu.memory_space<semaphore_mem>>
    %dma_wait3A_199 = tpu.memref_squeeze %dma_wait3A_198 : memref<1x!tpu.dma_semaphore, #tpu.memory_space<semaphore_mem>> -> memref<!tpu.dma_semaphore, #tpu.memory_space<semaphore_mem>>
    %dma_wait3A_200 = tpu.memref_slice %arg3[%mul3A_97, %mul3A_99] : memref<128x32769xf32, #tpu.memory_space<hbm>> -> memref<8x4096xf32, #tpu.memory_space<hbm>>
    %dma_wait3A_201 = arith.constant 0 : i32
    %dma_wait3A_202 = arith.constant 0 : i32
    %dma_wait3A_203 = tpu.memref_slice %arg4[%dma_wait3A_191, %dma_wait3A_201, %dma_wait3A_202] : memref<2x8x4096xf32, #tpu.memory_space<vmem>> -> memref<1x8x4096xf32, #tpu.memory_space<vmem>>
    %dma_wait3A_204 = tpu.memref_squeeze %dma_wait3A_203 : memref<1x8x4096xf32, #tpu.memory_space<vmem>> -> memref<8x4096xf32, #tpu.memory_space<vmem>>
    tpu.wait_dma2 semaphore(%dma_wait3A_199 : memref<!tpu.dma_semaphore, #tpu.memory_space<semaphore_mem>>) src(%dma_wait3A_204 : memref<8x4096xf32, #tpu.memory_space<vmem>>) dst(%dma_wait3A_200 : memref<8x4096xf32, #tpu.memory_space<hbm>>)
    %mul3A_205 = arith.constant 4 : i32
    %mul3A_206 = arith.muli %add3A, %mul3A_205 : i32
    %add3A_207 = arith.constant 3 : i32
    %add3A_208 = arith.addi %mul3A_206, %add3A_207 : i32
    %jit3A_209 = arith.constant 8 : i32
    %div3A_210 = arith.divsi %add3A_208, %jit3A_209 : i32
    %sign3A_211 = arith.constant 0 : i32
    %sign3A_212 = arith.cmpi sgt, %add3A_208, %sign3A_211 : i32
    %sign3A_213 = arith.extui %sign3A_212 : i1 to i32
    %sign3A_214 = arith.constant 0 : i32
    %sign3A_215 = arith.cmpi slt, %add3A_208, %sign3A_214 : i32
    %sign3A_216 = arith.extui %sign3A_215 : i1 to i32
    %sign3A_217 = arith.subi %sign3A_213, %sign3A_216 : i32
    %sign3A_218 = arith.constant 0 : i32
    %sign3A_219 = arith.cmpi sgt, %jit3A_209, %sign3A_218 : i32
    %sign3A_220 = arith.extui %sign3A_219 : i1 to i32
    %sign3A_221 = arith.constant 0 : i32
    %sign3A_222 = arith.cmpi slt, %jit3A_209, %sign3A_221 : i32
    %sign3A_223 = arith.extui %sign3A_222 : i1 to i32
    %sign3A_224 = arith.subi %sign3A_220, %sign3A_223 : i32
    %ne3A_225 = arith.cmpi ne, %sign3A_217, %sign3A_224 : i32
    %rem3A_226 = arith.remsi %add3A_208, %jit3A_209 : i32
    %ne3A_227 = arith.constant 0 : i32
    %ne3A_228 = arith.cmpi ne, %rem3A_226, %ne3A_227 : i32
    %and3A_229 = arith.andi %ne3A_225, %ne3A_228 : i1
    %sub3A_230 = arith.constant 1 : i32
    %sub3A_231 = arith.subi %div3A_210, %sub3A_230 : i32
    %select_n3A_232 = arith.select %and3A_229, %sub3A_231, %div3A_210 : i32
    %jit3A_233 = arith.constant 8 : i32
    %eq3A_234 = arith.constant 0 : i32
    %eq3A_235 = arith.cmpi eq, %jit3A_233, %eq3A_234 : i32
    %jit3A_236 = arith.constant 1 : i32
    %select_n3A_237 = arith.select %eq3A_235, %jit3A_236, %jit3A_233 : i32
    %rem3A_238 = arith.remsi %add3A_208, %select_n3A_237 : i32
    %ne3A_239 = arith.constant 0 : i32
    %ne3A_240 = arith.cmpi ne, %rem3A_238, %ne3A_239 : i32
    %lt3A_241 = arith.constant 0 : i32
    %lt3A_242 = arith.cmpi slt, %rem3A_238, %lt3A_241 : i32
    %lt3A_243 = arith.constant 0 : i32
    %lt3A_244 = arith.cmpi slt, %select_n3A_237, %lt3A_243 : i32
    %ne3A_245 = arith.xori %lt3A_242, %lt3A_244 : i1
    %and3A_246 = arith.andi %ne3A_245, %ne3A_240 : i1
    %add3A_247 = arith.addi %rem3A_238, %select_n3A_237 : i32
    %select_n3A_248 = arith.select %and3A_246, %add3A_247, %rem3A_238 : i32
    %mul3A_249 = arith.constant 8 : i32
    %mul3A_250 = arith.muli %select_n3A_232, %mul3A_249 : i32
    %mul3A_251 = arith.constant 4096 : i32
    %mul3A_252 = arith.muli %select_n3A_248, %mul3A_251 : i32
    %run_scoped3A_253 = arith.constant 1 : i32
    "tpu.region"() ({
      %run_scoped3A_296 = tpu.sem_alloc : memref<!tpu.dma_semaphore, #tpu.memory_space<semaphore_mem>>
      %dma_start3A_297 = arith.constant 0 : i32
      %dma_start3A_298 = arith.constant 0 : i32
      %dma_start3A_299 = tpu.memref_slice %arg4[%run_scoped3A_253, %dma_start3A_297, %dma_start3A_298] : memref<2x8x4096xf32, #tpu.memory_space<vmem>> -> memref<1x8x4096xf32, #tpu.memory_space<vmem>>
      %dma_start3A_300 = tpu.memref_squeeze %dma_start3A_299 : memref<1x8x4096xf32, #tpu.memory_space<vmem>> -> memref<8x4096xf32, #tpu.memory_space<vmem>>
      %dma_start3A_301 = tpu.memref_slice %arg2[%mul3A_250, %mul3A_252] : memref<128x32768xf32, #tpu.memory_space<hbm>> -> memref<8x4096xf32, #tpu.memory_space<hbm>>
      %dma_start3A_302 = arith.constant 0 : i32
      %dma_start3A_303 = arith.constant 0 : i32
      %dma_start3A_304 = tpu.memref_slice %arg4[%run_scoped3A_253, %dma_start3A_302, %dma_start3A_303] : memref<2x8x4096xf32, #tpu.memory_space<vmem>> -> memref<1x8x4096xf32, #tpu.memory_space<vmem>>
      %dma_start3A_305 = tpu.memref_squeeze %dma_start3A_304 : memref<1x8x4096xf32, #tpu.memory_space<vmem>> -> memref<8x4096xf32, #tpu.memory_space<vmem>>
      %dma_start3A_306 = tpu.memref_slice %arg2[%mul3A_250, %mul3A_252] : memref<128x32768xf32, #tpu.memory_space<hbm>> -> memref<8x4096xf32, #tpu.memory_space<hbm>>
      tpu.enqueue_dma source(%dma_start3A_306 : memref<8x4096xf32, #tpu.memory_space<hbm>>) target(%dma_start3A_305 : memref<8x4096xf32, #tpu.memory_space<vmem>>) target_semaphore(%run_scoped3A_296 : memref<!tpu.dma_semaphore, #tpu.memory_space<semaphore_mem>>)
      %dma_wait3A_307 = arith.constant 0 : i32
      %dma_wait3A_308 = arith.constant 0 : i32
      %dma_wait3A_309 = tpu.memref_slice %arg4[%run_scoped3A_253, %dma_wait3A_307, %dma_wait3A_308] : memref<2x8x4096xf32, #tpu.memory_space<vmem>> -> memref<1x8x4096xf32, #tpu.memory_space<vmem>>
      %dma_wait3A_310 = tpu.memref_squeeze %dma_wait3A_309 : memref<1x8x4096xf32, #tpu.memory_space<vmem>> -> memref<8x4096xf32, #tpu.memory_space<vmem>>
      %dma_wait3A_311 = tpu.memref_slice %arg2[%mul3A_250, %mul3A_252] : memref<128x32768xf32, #tpu.memory_space<hbm>> -> memref<8x4096xf32, #tpu.memory_space<hbm>>
      %dma_wait3A_312 = arith.constant 0 : i32
      %dma_wait3A_313 = arith.constant 0 : i32
      %dma_wait3A_314 = tpu.memref_slice %arg4[%run_scoped3A_253, %dma_wait3A_312, %dma_wait3A_313] : memref<2x8x4096xf32, #tpu.memory_space<vmem>> -> memref<1x8x4096xf32, #tpu.memory_space<vmem>>
      %dma_wait3A_315 = tpu.memref_squeeze %dma_wait3A_314 : memref<1x8x4096xf32, #tpu.memory_space<vmem>> -> memref<8x4096xf32, #tpu.memory_space<vmem>>
      %dma_wait3A_316 = tpu.memref_slice %arg2[%mul3A_250, %mul3A_252] : memref<128x32768xf32, #tpu.memory_space<hbm>> -> memref<8x4096xf32, #tpu.memory_space<hbm>>
      tpu.wait_dma2 semaphore(%run_scoped3A_296 : memref<!tpu.dma_semaphore, #tpu.memory_space<semaphore_mem>>) src(%dma_wait3A_316 : memref<8x4096xf32, #tpu.memory_space<hbm>>) dst(%dma_wait3A_315 : memref<8x4096xf32, #tpu.memory_space<vmem>>)
      tpu.yield
    }) : () -> ()
    %dma_start3A_254 = arith.constant 1 : i32
    %dma_start3A_255 = arith.constant 1 : i32
    %dma_start3A_256 = arith.constant 0 : i32
    %dma_start3A_257 = arith.constant 0 : i32
    %dma_start3A_258 = tpu.memref_slice %arg4[%dma_start3A_254, %dma_start3A_256, %dma_start3A_257] : memref<2x8x4096xf32, #tpu.memory_space<vmem>> -> memref<1x8x4096xf32, #tpu.memory_space<vmem>>
    %dma_start3A_259 = tpu.memref_squeeze %dma_start3A_258 : memref<1x8x4096xf32, #tpu.memory_space<vmem>> -> memref<8x4096xf32, #tpu.memory_space<vmem>>
    %dma_start3A_260 = tpu.memref_slice %arg3[%mul3A_250, %mul3A_252] : memref<128x32769xf32, #tpu.memory_space<hbm>> -> memref<8x4096xf32, #tpu.memory_space<hbm>>
    %dma_start3A_261 = tpu.memref_slice %arg5[%dma_start3A_255] : memref<2x!tpu.dma_semaphore, #tpu.memory_space<semaphore_mem>> -> memref<1x!tpu.dma_semaphore, #tpu.memory_space<semaphore_mem>>
    %dma_start3A_262 = tpu.memref_squeeze %dma_start3A_261 : memref<1x!tpu.dma_semaphore, #tpu.memory_space<semaphore_mem>> -> memref<!tpu.dma_semaphore, #tpu.memory_space<semaphore_mem>>
    %dma_start3A_263 = tpu.memref_slice %arg3[%mul3A_250, %mul3A_252] : memref<128x32769xf32, #tpu.memory_space<hbm>> -> memref<8x4096xf32, #tpu.memory_space<hbm>>
    %dma_start3A_264 = arith.constant 0 : i32
    %dma_start3A_265 = arith.constant 0 : i32
    %dma_start3A_266 = tpu.memref_slice %arg4[%dma_start3A_254, %dma_start3A_264, %dma_start3A_265] : memref<2x8x4096xf32, #tpu.memory_space<vmem>> -> memref<1x8x4096xf32, #tpu.memory_space<vmem>>
    %dma_start3A_267 = tpu.memref_squeeze %dma_start3A_266 : memref<1x8x4096xf32, #tpu.memory_space<vmem>> -> memref<8x4096xf32, #tpu.memory_space<vmem>>
    tpu.enqueue_dma source(%dma_start3A_267 : memref<8x4096xf32, #tpu.memory_space<vmem>>) target(%dma_start3A_263 : memref<8x4096xf32, #tpu.memory_space<hbm>>) target_semaphore(%dma_start3A_262 : memref<!tpu.dma_semaphore, #tpu.memory_space<semaphore_mem>>)
    %dma_wait3A_268 = arith.constant 0 : i32
    %dma_wait3A_269 = arith.constant 0 : i32
    %dma_wait3A_270 = arith.constant 0 : i32
    %dma_wait3A_271 = arith.constant 0 : i32
    %dma_wait3A_272 = tpu.memref_slice %arg4[%dma_wait3A_268, %dma_wait3A_270, %dma_wait3A_271] : memref<2x8x4096xf32, #tpu.memory_space<vmem>> -> memref<1x8x4096xf32, #tpu.memory_space<vmem>>
    %dma_wait3A_273 = tpu.memref_squeeze %dma_wait3A_272 : memref<1x8x4096xf32, #tpu.memory_space<vmem>> -> memref<8x4096xf32, #tpu.memory_space<vmem>>
    %dma_wait3A_274 = tpu.memref_slice %arg3[%mul3A_173, %mul3A_175] : memref<128x32769xf32, #tpu.memory_space<hbm>> -> memref<8x4096xf32, #tpu.memory_space<hbm>>
    %dma_wait3A_275 = tpu.memref_slice %arg5[%dma_wait3A_269] : memref<2x!tpu.dma_semaphore, #tpu.memory_space<semaphore_mem>> -> memref<1x!tpu.dma_semaphore, #tpu.memory_space<semaphore_mem>>
    %dma_wait3A_276 = tpu.memref_squeeze %dma_wait3A_275 : memref<1x!tpu.dma_semaphore, #tpu.memory_space<semaphore_mem>> -> memref<!tpu.dma_semaphore, #tpu.memory_space<semaphore_mem>>
    %dma_wait3A_277 = tpu.memref_slice %arg3[%mul3A_173, %mul3A_175] : memref<128x32769xf32, #tpu.memory_space<hbm>> -> memref<8x4096xf32, #tpu.memory_space<hbm>>
    %dma_wait3A_278 = arith.constant 0 : i32
    %dma_wait3A_279 = arith.constant 0 : i32
    %dma_wait3A_280 = tpu.memref_slice %arg4[%dma_wait3A_268, %dma_wait3A_278, %dma_wait3A_279] : memref<2x8x4096xf32, #tpu.memory_space<vmem>> -> memref<1x8x4096xf32, #tpu.memory_space<vmem>>
    %dma_wait3A_281 = tpu.memref_squeeze %dma_wait3A_280 : memref<1x8x4096xf32, #tpu.memory_space<vmem>> -> memref<8x4096xf32, #tpu.memory_space<vmem>>
    tpu.wait_dma2 semaphore(%dma_wait3A_276 : memref<!tpu.dma_semaphore, #tpu.memory_space<semaphore_mem>>) src(%dma_wait3A_281 : memref<8x4096xf32, #tpu.memory_space<vmem>>) dst(%dma_wait3A_277 : memref<8x4096xf32, #tpu.memory_space<hbm>>)
    %dma_wait3A_282 = arith.constant 1 : i32
    %dma_wait3A_283 = arith.constant 1 : i32
    %dma_wait3A_284 = arith.constant 0 : i32
    %dma_wait3A_285 = arith.constant 0 : i32
    %dma_wait3A_286 = tpu.memref_slice %arg4[%dma_wait3A_282, %dma_wait3A_284, %dma_wait3A_285] : memref<2x8x4096xf32, #tpu.memory_space<vmem>> -> memref<1x8x4096xf32, #tpu.memory_space<vmem>>
    %dma_wait3A_287 = tpu.memref_squeeze %dma_wait3A_286 : memref<1x8x4096xf32, #tpu.memory_space<vmem>> -> memref<8x4096xf32, #tpu.memory_space<vmem>>
    %dma_wait3A_288 = tpu.memref_slice %arg3[%mul3A_250, %mul3A_252] : memref<128x32769xf32, #tpu.memory_space<hbm>> -> memref<8x4096xf32, #tpu.memory_space<hbm>>
    %dma_wait3A_289 = tpu.memref_slice %arg5[%dma_wait3A_283] : memref<2x!tpu.dma_semaphore, #tpu.memory_space<semaphore_mem>> -> memref<1x!tpu.dma_semaphore, #tpu.memory_space<semaphore_mem>>
    %dma_wait3A_290 = tpu.memref_squeeze %dma_wait3A_289 : memref<1x!tpu.dma_semaphore, #tpu.memory_space<semaphore_mem>> -> memref<!tpu.dma_semaphore, #tpu.memory_space<semaphore_mem>>
    %dma_wait3A_291 = tpu.memref_slice %arg3[%mul3A_250, %mul3A_252] : memref<128x32769xf32, #tpu.memory_space<hbm>> -> memref<8x4096xf32, #tpu.memory_space<hbm>>
    %dma_wait3A_292 = arith.constant 0 : i32
    %dma_wait3A_293 = arith.constant 0 : i32
    %dma_wait3A_294 = tpu.memref_slice %arg4[%dma_wait3A_282, %dma_wait3A_292, %dma_wait3A_293] : memref<2x8x4096xf32, #tpu.memory_space<vmem>> -> memref<1x8x4096xf32, #tpu.memory_space<vmem>>
    %dma_wait3A_295 = tpu.memref_squeeze %dma_wait3A_294 : memref<1x8x4096xf32, #tpu.memory_space<vmem>> -> memref<8x4096xf32, #tpu.memory_space<vmem>>
    tpu.wait_dma2 semaphore(%dma_wait3A_290 : memref<!tpu.dma_semaphore, #tpu.memory_space<semaphore_mem>>) src(%dma_wait3A_295 : memref<8x4096xf32, #tpu.memory_space<vmem>>) dst(%dma_wait3A_291 : memref<8x4096xf32, #tpu.memory_space<hbm>>)
    return
  }
}

module attributes {stable_mosaic.version = 14 : i64} {
  func.func @_softmax_block(%arg0: i32, %arg1: memref<64x32768xf32, #tpu.memory_space<vmem>>, %arg2: memref<64x32768xf32, #tpu.memory_space<vmem>>) attributes {dimension_semantics = [#tpu.dimension_semantics<arbitrary>], iteration_bounds = array<i64: 2>, scalar_prefetch = 0 : i64, scratch_operands = 0 : i64, tpu.core_type = #tpu.core_type<tc>, window_params = [{transform_indices = @transform_0, window_bounds = array<i64: 64, 32768>}, {transform_indices = @transform_1, window_bounds = array<i64: 64, 32768>}]} {
    %get3A = arith.constant 0 : index
    %get3A_0 = arith.constant 0 : index
    %get3A_1 = vector.load %arg1[%get3A, %get3A_0] : memref<64x32768xf32, #tpu.memory_space<vmem>>, vector<64x32768xf32>
    %reduce_max3A = arith.constant dense<0xFF800000> : vector<64xf32>
    %reduce_max3A_2 = vector.multi_reduction <maximumf>, %get3A_1, %reduce_max3A [1] : vector<64x32768xf32> to vector<64xf32>
    %broadcast_in_dim3A = vector.shape_cast %reduce_max3A_2 : vector<64xf32> to vector<64x1xf32>
    %sub3A = vector.broadcast %broadcast_in_dim3A : vector<64x1xf32> to vector<64x32768xf32>
    %sub3A_3 = arith.subf %get3A_1, %sub3A : vector<64x32768xf32>
    %exp3A = math.exp %sub3A_3 : vector<64x32768xf32>
    %reduce_sum3A = arith.constant dense<0.000000e+00> : vector<64xf32>
    %reduce_sum3A_4 = vector.multi_reduction <add>, %exp3A, %reduce_sum3A [1] : vector<64x32768xf32> to vector<64xf32>
    %broadcast_in_dim3A_5 = vector.shape_cast %reduce_sum3A_4 : vector<64xf32> to vector<64x1xf32>
    %div3A = arith.constant 1.000000e+00 : f32
    %div3A_6 = vector.broadcast %div3A : f32 to vector<64x1xf32>
    %div3A_7 = arith.divf %div3A_6, %broadcast_in_dim3A_5 : vector<64x1xf32>
    %mul3A = vector.broadcast %div3A_7 : vector<64x1xf32> to vector<64x32768xf32>
    %mul3A_8 = arith.mulf %exp3A, %mul3A : vector<64x32768xf32>
    %swap3A = arith.constant 0 : index
    %swap3A_9 = arith.constant 0 : index
    %swap3A_10 = vector.load %arg2[%swap3A, %swap3A_9] : memref<64x32768xf32, #tpu.memory_space<vmem>>, vector<64x32768xf32>
    tpu.vector_store %arg2[%swap3A, %swap3A_9], %mul3A_8 {strides = array<i32>} : memref<64x32768xf32, #tpu.memory_space<vmem>>, vector<64x32768xf32>,
    return
  }
  func.func @transform_0(%arg0: i32) -> (i32, i32) {
    %c0_i32 = arith.constant 0 : i32
    %c0_i32_0 = arith.constant 0 : i32
    return %arg0, %c0_i32 : i32, i32
  }
  func.func @transform_1(%arg0: i32) -> (i32, i32) {
    %c0_i32 = arith.constant 0 : i32
    %c0_i32_0 = arith.constant 0 : i32
    return %arg0, %c0_i32 : i32, i32
  }
}

module attributes {stable_mosaic.version = 14 : i64} {
  func.func @_zero_col_body(%arg0: memref<128x32769xf32, #tpu.memory_space<any>>, %arg1: memref<128x32769xf32, #tpu.memory_space<any>>, %arg2: memref<128x1xf32, #tpu.memory_space<vmem>>, %arg3: memref<!tpu.dma_semaphore, #tpu.memory_space<semaphore_mem>>) attributes {dimension_semantics = [], scalar_prefetch = 0 : i64, scratch_operands = 2 : i64, tpu.core_type = #tpu.core_type<tc>} {
    %broadcast_in_dim3A = arith.constant 0.000000e+00 : f32
    %broadcast_in_dim3A_0 = vector.broadcast %broadcast_in_dim3A : f32 to vector<128x1xf32>
    %swap3A = arith.constant 0 : index
    %swap3A_1 = arith.constant 0 : index
    %swap3A_2 = vector.load %arg2[%swap3A, %swap3A_1] : memref<128x1xf32, #tpu.memory_space<vmem>>, vector<128x1xf32>
    tpu.vector_store %arg2[%swap3A, %swap3A_1], %broadcast_in_dim3A_0 {strides = array<i32>} : memref<128x1xf32, #tpu.memory_space<vmem>>, vector<128x1xf32>,
    %dma_start3A = arith.constant 0 : i32
    %dma_start3A_3 = arith.constant 32768 : i32
    %dma_start3A_4 = tpu.memref_slice %arg1[%dma_start3A, %dma_start3A_3] : memref<128x32769xf32, #tpu.memory_space<any>> -> memref<128x1xf32, #tpu.memory_space<any>>
    tpu.enqueue_dma source(%arg2 : memref<128x1xf32, #tpu.memory_space<vmem>>) target(%dma_start3A_4 : memref<128x1xf32, #tpu.memory_space<any>>) target_semaphore(%arg3 : memref<!tpu.dma_semaphore, #tpu.memory_space<semaphore_mem>>)
    %dma_wait3A = arith.constant 0 : i32
    %dma_wait3A_5 = arith.constant 32768 : i32
    %dma_wait3A_6 = tpu.memref_slice %arg1[%dma_wait3A, %dma_wait3A_5] : memref<128x32769xf32, #tpu.memory_space<any>> -> memref<128x1xf32, #tpu.memory_space<any>>
    tpu.wait_dma2 semaphore(%arg3 : memref<!tpu.dma_semaphore, #tpu.memory_space<semaphore_mem>>) src(%arg2 : memref<128x1xf32, #tpu.memory_space<vmem>>) dst(%dma_wait3A_6 : memref<128x1xf32, #tpu.memory_space<any>>)
    return
  }
}

</mosaic_0001>

<sc_bundles>
// kernel: kernel.5.cloned.1.call-start
scs
__scs_entry_jumppad:
0x0: {  	(pc) =	sbr.rel $0x88, $3  }
0x1: {  	(tag) =	ssettag $0x0;
	lr =	simm.s32 $0x1  }
0x2: {  	[smem:$0x3FA0] =	sst lr;
	_ =	strace $0xD0000000  }
0x3: {  	_ = 	snop  }
0x4: {  	_ = 	snop  }
0x5: {  	_ = 	snop  }
0x6: {  	_ = 	snop  }
0x7: {  	_ = 	snop  }
__scs_overlays_trampoline_lowered:
0x8: {  	[smem:$0x3FAF] =	sst s0  }
0x9: {  	[smem:$0x3FB0] =	sst s1  }
0xa: {  	[smem:$0x3FB1] =	sst s2  }
0xb: {  	[smem:$0x3FB2] =	sst s3  }
0xc: {  	[smem:$0x3FB3] =	sst s4  }
0xd: {  	[smem:$0x3FB4] =	sst s5  }
0xe: {  	[smem:$0x3FB5] =	sst s6  }
0xf: {  	[smem:$0x3FB6] =	sst s7  }
0x10: {  	[smem:$0x3FB7] =	sst s8  }
0x11: {  	[smem:$0x3FB8] =	sst s9;
	s0 =	simm.s32 @!p0 $0x0  }
0x12: {  	s1 =	sld [smem:$0x3F9E];
	s0 =	simm.s32 @p0 $0x1  }
0x13: {  	[smem:$0x3FB9] =	sst s0;
	s0 =	simm.s32 @!p1 $0x0  }
0x14: {  	s2 =	sld [smem:$0x3F9D];
	s0 =	simm.s32 @p1 $0x1  }
0x15: {  	[smem:$0x3FBA] =	sst s0;
	s0 =	simm.s32 @!p2 $0x0  }
0x16: {  	s3 =	sld [smem:$0x3FDB];
	s0 =	simm.s32 @p2 $0x1  }
0x17: {  	s4 =	simm.s32 $0x1BF5;
	[smem:$0x3FBC] =	sst s0  }
0x18: {  	s0 =	sld [smem:$0x3F9F];
	_ =	swait.ge [sflag:s4], $0x0  }
0x19: {  	s7 =	sld [smem:$0x3FA0]  }
0x1a: {  	s8 =	sadd.s32 $0xFFFFE003, lr  }
0x1b: {  	s9 =	sadd.s32 $0xFFFFFEF7, lr;
	s5 =	simm.s32 $0xFFFFFFFF;
	p2 =	slt.u32 s8, $0xFFFFF086  }
0x1c: {  	p1 =	slt.u32 s9, $0xF7A;
	s5 =	simm.s32 @!p2 $0x0  }
0x1d: {  	s5 =	simm.s32 @p1 $0x1;
	p0 =	seq.s32 s7, s2  }
0x1e: {  	s7 =	smul.u32 @!p0 $0xF7A, s2;
	p2 =	seq.s32 @!p0 s5, $0x0  }
0x1f: {  	s9 =	smul.u32 $0xF7A, s1;
	s8 =	simm.s32 @!p0 $0x1BF5;
	p2 =	por !p2, p0  }
0x20: {  	[sflag:s8] =	ssyncset.s32 @!p0 $0xFFFFF086;
	s6 =	sadd.s32 @!p0 s3, s7;
	s7 =	simm.s32 @!p0 $0x108  }
0x21: {  	s3 =	sadd.s32 s3, s9;
	s6 =	sadd.s32 @!p0 $0x88, s6;
	s7 =	simm.s32 @p2 $0x1082  }
0x22: {  	[simem:s7], [sflag:s8] =	dma.local @!p0 [hbm:s6], $0xF7A  }
0x23: {  	s9 =	sor.u32 $0xD0000000, s2;
	s6 =	simm.s32 $0x108;
	_ =	swait.ge @!p0 [sflag:s8], $0x0  }
0x24: {  	s3 =	sadd.s32 $0x88, s3;
	s6 =	simm.s32 @!p1 $0x1082;
	[sflag:s4] =	ssyncset.s32 $0xFFFFF086  }
0x25: {  	[simem:s6], [sflag:s4] =	dma.local [hbm:s3], $0xF7A  }
0x26: {  	[smem:$0x3FA0] =	sst s1;
	(tag) =	ssettag s2;
	_ =	strace s9  }
0x27: {  	s1 =	sld [smem:$0x3FB0]  }
0x28: {  	s2 =	sld [smem:$0x3FB1]  }
0x29: {  	s4 =	sld [smem:$0x3FB3]  }
0x2a: {  	p0 =	seq.s32 s5, $0x0;
	s5 =	sld [smem:$0x3FB4]  }
0x2b: {  	s6 =	sld [smem:$0x3FB5]  }
0x2c: {  	s7 =	sld [smem:$0x3FB6]  }
0x2d: {  	s3 =	simm.s32 $0x108;
	s8 =	sld [smem:$0x3FB7]  }
0x2e: {  	s3 =	simm.s32 @!p0 $0x1082;
	s9 =	sld [smem:$0x3FB8]  }
0x2f: {  	lr =	sadd.s32 s0, s3;
	s0 =	sld [smem:$0x3FAF]  }
0x30: {  	s3 =	sld [smem:$0x3FB2]  }
0x31: {  	[smem:$0x3FBB] =	sst s10  }
0x32: {  	s10 =	sld [smem:$0x3FB9];
	_ =	sdelay $0x3  }
0x33: {  	p0 =	seq.s32 s10, $0x1;
	s10 =	sld [smem:$0x3FBB];
	_ =	sdelay $0x3  }
0x34: {  	[smem:$0x3FBB] =	sst s10  }
0x35: {  	s10 =	sld [smem:$0x3FBA];
	_ =	sdelay $0x3  }
0x36: {  	p1 =	seq.s32 s10, $0x1;
	s10 =	sld [smem:$0x3FBB];
	_ =	sdelay $0x3  }
0x37: {  	[smem:$0x3FBB] =	sst s10  }
0x38: {  	s10 =	sld [smem:$0x3FBC]  }
0x39: {  	_ = 	snop;
	(pc) =	sbr.ind lr, $3  }
0x3a: {  	_ = 	snop  }
0x3b: {  	_ = 	snop  }
0x3c: {  	p2 =	seq.s32 s10, $0x1;
	s10 =	sld [smem:$0x3FBB]  }
0x3d: {  	_ =	shalt  }
0x3e: {  	_ =	shalt  }
0x3f: {  	_ =	shalt  }
0x40: {  	_ =	shalt  }
0x41: {  	_ =	shalt  }
0x42: {  	_ =	shalt  }
0x43: {  	_ =	shalt  }
0x44: {  	_ =	shalt  }
0x45: {  	_ =	shalt  }
0x46: {  	_ =	shalt  }
0x47: {  	_ =	shalt  }
0x48: {  	_ =	shalt  }
0x49: {  	_ =	shalt  }
0x4a: {  	_ =	shalt  }
0x4b: {  	_ =	shalt  }
0x4c: {  	_ =	shalt  }
0x4d: {  	_ =	shalt  }
0x4e: {  	_ =	shalt  }
0x4f: {  	_ =	shalt  }
0x50: {  	_ =	shalt  }
0x51: {  	_ =	shalt  }
0x52: {  	_ =	shalt  }
0x53: {  	_ =	shalt  }
0x54: {  	_ =	shalt  }
0x55: {  	_ =	shalt  }
0x56: {  	_ =	shalt  }
0x57: {  	_ =	shalt  }
0x58: {  	_ =	shalt  }
0x59: {  	_ =	shalt  }
0x5a: {  	_ =	shalt  }
0x5b: {  	_ =	shalt  }
0x5c: {  	_ =	shalt  }
0x5d: {  	_ =	shalt  }
0x5e: {  	_ =	shalt  }
0x5f: {  	_ =	shalt  }
0x60: {  	_ =	shalt  }
0x61: {  	_ =	shalt  }
0x62: {  	_ =	shalt  }
0x63: {  	_ =	shalt  }
0x64: {  	_ =	shalt  }
0x65: {  	_ =	shalt  }
0x66: {  	_ =	shalt  }
0x67: {  	_ =	shalt  }
0x68: {  	_ =	shalt  }
0x69: {  	_ =	shalt  }
0x6a: {  	_ =	shalt  }
0x6b: {  	_ =	shalt  }
0x6c: {  	_ =	shalt  }
0x6d: {  	_ =	shalt  }
0x6e: {  	_ =	shalt  }
0x6f: {  	_ =	shalt  }
0x70: {  	_ =	shalt  }
0x71: {  	_ =	shalt  }
0x72: {  	_ =	shalt  }
0x73: {  	_ =	shalt  }
0x74: {  	_ =	shalt  }
0x75: {  	_ =	shalt  }
0x76: {  	_ =	shalt  }
0x77: {  	_ =	shalt  }
0x78: {  	_ =	shalt  }
0x79: {  	_ =	shalt  }
0x7a: {  	_ =	shalt  }
0x7b: {  	_ =	shalt  }
0x7c: {  	_ =	shalt  }
0x7d: {  	_ =	shalt  }
0x7e: {  	_ =	shalt  }
0x7f: {  	_ =	shalt  }
0x80: {  	_ =	shalt  }
0x81: {  	_ =	shalt  }
0x82: {  	_ =	shalt  }
0x83: {  	_ =	shalt  }
0x84: {  	_ =	shalt  }
0x85: {  	_ =	shalt  }
0x86: {  	_ =	shalt  }
0x87: {  	_ =	shalt  }
.Lfunc_end0:
.L_simem_size_0:
called_computation_lowered:
.L_overlay_start_0:
0x88: {  	s2 =	sld [smem:$0x3FD9]  }
0x89: {  	s3 =	sld [smem:$0x3FFE];
	_ =	sdelay $0x1  }
0x8a: {  	s1 =	srdreg.scid  }
0x8b: {  	s0 =	sand.u32 $0x1, s1  }
0x8c: {  	s17 =	sshll.u32 s0, $0xA;
	s2 =	sadd.s32 s3, s2  }
0x8d: {  	s2 =	sadd.s32 s2, s17  }
0x8e: {  	[smem:$0x3FC7] =	sst s2  }
0x8f: {  	_ = 	snop  }
0x90: {  	s2 =	sld [smem:$0x3FD0];
	(tm) =	ssettm $0x1  }
0x91: {  	s18 =	sld [smem:$0x3FFB];
	_ =	sdelay $0x3  }
0x92: {  	_ =	strace s18  }
0x93: {  	s3 =	sld [smem:$0x3FFC];
	_ =	sdelay $0x3  }
0x94: {  	_ =	strace s3  }
0x95: {  	s3 =	sld [smem:$0x3FFD];
	_ =	sdelay $0x3  }
0x96: {  	_ =	strace s3  }
0x97: {  	_ =	strace $0x8FFFFFFF  }
0x98: {  	s19 =	sld [smem:$0x3FDB];
	_ =	sdelay $0x1  }
0x99: {  	s4 =	simm.s32 $_scs_section_size  }
0x9a: {  	s5 =	simm.s32 $_size__tile_overlayer_lowered;
	s6 =	simm.s32 $_tile_overlayer_lowered  }
0x9b: {  	s22 =	simm.s32 $0x1BFF;
	s21 =	sshll.u32 s6, $0x1;
	s3 =	sadd.s32 s4, s19  }
0x9c: {  	s7 =	simm.s32 $0x0;
	s20 =	sshll.u32 s5, $0x1;
	s5 =	sadd.s32 s21, s3  }
0x9d: {  	[timem:s7], [sflag:s22] =	dma.local [hbm:s5], s20  }
0x9e: {  	_ =	swait.ge [sflag:s22], s20  }
0x9f: {  	s4 =	ssub.s32 $0x0, s20;
	[sflag:s22] =	ssyncset.done $0x0  }
0xa0: {  	[sflag:s22] =	ssyncadd.s32 s4;
	_ =	sdelay $0x1  }
0xa1: {  	s23 =	simm.s32 $0x1B8B  }
0xa2: {  	_ =	swait.ge [sflag:s23], $0x1  }
0xa3: {  	[sflag:s23] =	ssyncset.done $0x0  }
0xa4: {  	s25 =	simm.s32 $0x1B8E;
	s24 =	sld [smem:$0x3FFE];
	[sflag:s23] =	ssyncadd.s32 $0xFFFFFFFF  }
0xa5: {  	s26 =	simm.s32 $execute0_lowered;
	[smem:$0x3FD2] =	sst s25  }
0xa6: {  	s5 =	sshll.u32 s26, $0x1;
	_ =	strace $0x80000046;
	[dreg:$0x1] =	wrdreg $0xFFFFFFFF  }
0xa7: {  	s28 =	simm.s32 $_size_execute0_lowered;
	s3 =	sadd.s32 s3, s5;
	[dreg:$0x0] =	wrdreg $0x0  }
0xa8: {  	s5 =	sshll.u32 s28, $0x1;
	[dreg:$0x2] =	wrdreg s3  }
0xa9: {  	[dreg:$0x3] =	wrdreg s5  }
0xaa: {  	[dreg:$0x4] =	wrdreg $0xC0  }
0xab: {  	_ =	task [dreg:s7], $0x5FFFF  }
0xac: {  	[dreg:$0x1] =	wrdreg $0xFFFFFFFF  }
0xad: {  	[dreg:$0x0] =	wrdreg $0x60  }
0xae: {  	[dreg:$0x2] =	wrdreg s2  }
0xaf: {  	[dreg:$0x3] =	wrdreg s24  }
0xb0: {  	[dreg:$0x4] =	wrdreg $0x9  }
0xb1: {  	_ =	task.clear_ibuf [dreg:s7], $0x5FFFF;
	_ =	strace $0x90000046  }
0xb2: {  	s29 =	simm.s32 $0x9;
	_ =	strace $0x80000048  }
0xb3: {  	_ =	swait.ge [sflag:s29], $0x1  }
0xb4: {  	[sflag:s29] =	ssyncadd.s32 $0xFFFFFFFF  }
0xb5: {  	_ =	strace $0x90000048  }
0xb6: {  	_ =	sfence  }
0xb7: {  	s30 =	sld [smem:$0x0];
	_ =	sdelay $0x2  }
0xb8: {  	s31 =	sshll.u32 s1, $0xD;
	s1 =	sshrl.u32 s1, $0x2  }
0xb9: {  	s3 =	sand.u32 $0x4000, s31;
	s1 =	sadd.s32 s1, s30  }
0xba: {  	s0 =	sor.u32 s3, s0;
	s1 =	sshll.u32 s1, $0x11  }
0xbb: {  	s0 =	sor.u32 s1, s0  }
0xbc: {  	s0 =	sadd.s32 $0x8F2B, s0  }
0xbd: {  	[sflag:s0] =	ssyncadd.remote.s32 $0x1  }
0xbe: {  	_ =	sfence.sel $0xFFFF  }
0xbf: {  	[dreg:$0x0] =	wrdreg $0xFFFFFFFF;
	(pc) =	sbr.abs _section_cstart, $3  }
0xc0: {  	[dreg:$0x1] =	wrdreg $0xFFFFFFFF  }
0xc1: {  	_ =	task.clear_ibuf [dreg:s7], $0x2FFFF;
	_ =	strace $0x9FFFFFFF  }
0xc2: {  	(tm) =	ssettm $0x7FFFFFFF  }
0xc3: {  	_ =	shalt  }
tec
execute0_lowered:
.L_overlay_start_1:
0x0: {  	(tag) =	ssettag $0x1  }
0x1: {  	s1 =	srdreg.scid  }
0x2: {  	s0 =	stileid.u32;
	s14 =	sand.u32 $0x1, s1  }
0x3: {  	s1 =	sor.u32 s14, s0  }
0x4: {  	p1 =	seq.s32 s14, $0x1;
	p0 =	seq.s32 s1, $0x0  }
0x5: {  	p0 =	por !p0, !p1  }
0x6: {  	s2 =	simm.s32 $0x1;
	p0 =	por !p0, !p0  }
0x7: {  	s3 =	rddreg [dreg:$0x1];
	s2 =	simm.s32 @!p0 $0x0  }
0x8: {  	s13 =	rddreg [dreg:$0x0];
	s15 =	sadd.s32 $0x800, s3;
	s4 =	ssub.s32 s0, s2  }
0x9: {  	s12 =	sshll.u32 s14, $0x11;
	s2 =	simm.s32 $0x0;
	s5 =	sshll.u32 s4, $0x12  }
0xa: {  	[smem:$0x7FF] =	sst s2;
	s4 =	smul.u32 $0x40400, s4;
	s5 =	sor.u32 s12, s5  }
0xb: {  	s1 =	rddreg [dreg:$0x2];
	_ =	strace $0x80000047;
	s26 =	sshrl.u32 s5, $0x3  }
0xc: {  	s28 =	sadd.s32 s12, s4;
	s4 =	simm.s32 $0x3;
	s3 =	sadd.s32 s13, s26  }
0xd: {  	[tilespmem:s2], [sflag:$0x3] =	stream.linear.gather [hbm4b:s3+s2], $0x8000, $0x38;
	[tilespmem:$0x10000] =	vst v63  }
0xe: {  	s16 =	sshll.u32 s0, $0x12;
	s8 =	sor.u32 $0x8000, s12;
	_ =	swait.ge [sflag:s4], $0x8000  }
0xf: {  	s6 =	sor.u32 s16, s8;
	s5 =	sshrl.u32 s28, $0x3;
	[sflag:s4] =	ssyncset.done $0x0  }
0x10: {  	s6 =	sshrl.u32 s6, $0x3;
	s5 =	sadd.s32 s15, s5;
	[sflag:s4] =	ssyncadd.s32 $0xFFFF8000  }
0x11: {  	[hbm4b:s5+s2] =	stream.linear.scatter [tilespmem:s2], [sflag:$0x1], $0x8000, $0x38;
	[tilespmem:$0x10000] =	vst v63  }
0x12: {  	s7 =	simm.s32 $0x8000;
	s17 =	smul.u32 $0x40400, s0;
	s6 =	sadd.s32 s13, s6  }
0x13: {  	[tilespmem:s7], [sflag:$0x3] =	stream.linear.gather [hbm4b:s6+s2], $0x8000, $0x38;
	[tilespmem:$0x10000] =	vst v63  }
0x14: {  	s9 =	sadd.s32 s17, s8;
	_ =	swait.ge [sflag:s4], $0x8000  }
0x15: {  	s11 =	sor.u32 $0x10000, s12;
	s9 =	sshrl.u32 s9, $0x3;
	[sflag:s4] =	ssyncset.done $0x0  }
0x16: {  	s8 =	simm.s32 $0x1;
	s9 =	sadd.s32 s15, s9;
	[sflag:s4] =	ssyncadd.s32 $0xFFFF8000  }
0x17: {  	[hbm4b:s9+s2] =	stream.linear.scatter [tilespmem:s7], [sflag:$0x2], $0x8000, $0x38;
	[tilespmem:$0x10000] =	vst v63  }
0x18: {  	s10 =	sor.u32 s16, s11;
	_ =	swait.ge [sflag:s8], $0x8000  }
0x19: {  	s10 =	sshrl.u32 s10, $0x3;
	[sflag:s8] =	ssyncset.done $0x0  }
0x1a: {  	s10 =	sadd.s32 s13, s10;
	[sflag:s8] =	ssyncadd.s32 $0xFFFF8000  }
0x1b: {  	[tilespmem:s2], [sflag:$0x3] =	stream.linear.gather [hbm4b:s10+s2], $0x8000, $0x38;
	[tilespmem:$0x10000] =	vst v63  }
0x1c: {  	s30 =	ssub.s32 $0x2, s14;
	s11 =	sadd.s32 s17, s11;
	_ =	swait.ge [sflag:s4], $0x8000  }
0x1d: {  	s18 =	sor.u32 $0x18000, s12;
	s11 =	sshrl.u32 s11, $0x3;
	[sflag:s4] =	ssyncset.done $0x0  }
0x1e: {  	s11 =	sadd.s32 s15, s11;
	s12 =	simm.s32 $0x2;
	[sflag:s4] =	ssyncadd.s32 $0xFFFF8000  }
0x1f: {  	[hbm4b:s11+s2] =	stream.linear.scatter [tilespmem:s2], [sflag:$0x1], $0x8000, $0x38;
	[tilespmem:$0x10000] =	vst v63  }
0x20: {  	s31 =	sshrl.u32 s30, $0x1;
	s16 =	sor.u32 s16, s18;
	_ =	swait.ge [sflag:s12], $0x8000  }
0x21: {  	s29 =	sadd.s32 s17, s18;
	s16 =	sshrl.u32 s16, $0x3;
	[sflag:s12] =	ssyncset.done $0x0  }
0x22: {  	s13 =	sadd.s32 s13, s16;
	s16 =	sshrl.u32 s29, $0x3;
	[sflag:s12] =	ssyncadd.s32 $0xFFFF8000  }
0x23: {  	[tilespmem:s7], [sflag:$0x3] =	stream.linear.gather [hbm4b:s13+s2], $0x8000, $0x38;
	[tilespmem:$0x10000] =	vst v63  }
0x24: {  	s14 =	sadd.s32 s15, s16;
	s15 =	ssub.s32 s30, s31;
	_ =	swait.ge [sflag:s4], $0x8000  }
0x25: {  	s15 =	smax.u32 s15, $0x1;
	[sflag:s4] =	ssyncset.done $0x0  }
0x26: {  	p0 =	sne.s32 s15, $0x1;
	[sflag:s4] =	ssyncadd.s32 $0xFFFF8000  }
0x27: {  	[hbm4b:s14+s2] =	stream.linear.scatter [tilespmem:s7], [sflag:$0x2], $0x8000, $0x38;
	[tilespmem:$0x10000] =	vst v63  }
.Ltmp0:
0x28: {  	_ =	swait.ge [sflag:s8], $0x8000;
	(pc) =	sbr.rel @!p0 .LBB2_2-.Ltmp0, $4  }
0x29: {  	[sflag:s8] =	ssyncset.done $0x0  }
0x2a: {  	[sflag:s8] =	ssyncadd.s32 $0xFFFF8000  }
0x2b: {  	_ =	swait.ge [sflag:s12], $0x8000  }
0x2c: {  	s15 =	sadd.s32 $0xFFFFFFFF, s15;
	[sflag:s12] =	ssyncset.done $0x0  }
.LBB2_1:
0x2d: {  	p0 =	sne.s32 s15, $0x1;
	s15 =	sadd.s32 $0xFFFFFFFF, s15;
	[sflag:s12] =	ssyncadd.s32 $0xFFFF8000  }
0x2e: {  	[tilespmem:s2], [sflag:$0x3] =	stream.linear.gather [hbm4b:s3+s2], $0x8000, $0x38;
	[tilespmem:$0x10000] =	vst v63  }
0x2f: {  	_ =	swait.ge [sflag:s4], $0x8000  }
0x30: {  	[sflag:s4] =	ssyncset.done $0x0  }
0x31: {  	[sflag:s4] =	ssyncadd.s32 $0xFFFF8000  }
0x32: {  	[hbm4b:s5+s2] =	stream.linear.scatter [tilespmem:s2], [sflag:$0x1], $0x8000, $0x38;
	[tilespmem:$0x10000] =	vst v63  }
0x33: {  	_ = 	snop  }
0x34: {  	[tilespmem:s7], [sflag:$0x3] =	stream.linear.gather [hbm4b:s6+s2], $0x8000, $0x38;
	[tilespmem:$0x10000] =	vst v63  }
0x35: {  	_ =	swait.ge [sflag:s4], $0x8000  }
0x36: {  	[sflag:s4] =	ssyncset.done $0x0  }
0x37: {  	[sflag:s4] =	ssyncadd.s32 $0xFFFF8000  }
0x38: {  	[hbm4b:s9+s2] =	stream.linear.scatter [tilespmem:s7], [sflag:$0x2], $0x8000, $0x38;
	[tilespmem:$0x10000] =	vst v63  }
0x39: {  	_ =	swait.ge [sflag:s8], $0x8000  }
0x3a: {  	[sflag:s8] =	ssyncset.done $0x0  }
0x3b: {  	[sflag:s8] =	ssyncadd.s32 $0xFFFF8000  }
0x3c: {  	[tilespmem:s2], [sflag:$0x3] =	stream.linear.gather [hbm4b:s10+s2], $0x8000, $0x38;
	[tilespmem:$0x10000] =	vst v63  }
0x3d: {  	_ =	swait.ge [sflag:s4], $0x8000  }
0x3e: {  	[sflag:s4] =	ssyncset.done $0x0  }
0x3f: {  	[sflag:s4] =	ssyncadd.s32 $0xFFFF8000  }
0x40: {  	[hbm4b:s11+s2] =	stream.linear.scatter [tilespmem:s2], [sflag:$0x1], $0x8000, $0x38;
	[tilespmem:$0x10000] =	vst v63  }
0x41: {  	_ =	swait.ge [sflag:s12], $0x8000  }
0x42: {  	[sflag:s12] =	ssyncset.done $0x0  }
0x43: {  	[sflag:s12] =	ssyncadd.s32 $0xFFFF8000  }
0x44: {  	[tilespmem:s7], [sflag:$0x3] =	stream.linear.gather [hbm4b:s13+s2], $0x8000, $0x38;
	[tilespmem:$0x10000] =	vst v63  }
0x45: {  	_ =	swait.ge [sflag:s4], $0x8000  }
0x46: {  	[sflag:s4] =	ssyncset.done $0x0  }
0x47: {  	[sflag:s4] =	ssyncadd.s32 $0xFFFF8000  }
0x48: {  	[hbm4b:s14+s2] =	stream.linear.scatter [tilespmem:s7], [sflag:$0x2], $0x8000, $0x38;
	[tilespmem:$0x10000] =	vst v63  }
.Ltmp1:
0x49: {  	_ =	swait.ge [sflag:s8], $0x8000;
	(pc) =	sbr.rel @p0 .LBB2_1-.Ltmp1, $4  }
0x4a: {  	[sflag:s8] =	ssyncset.done $0x0  }
0x4b: {  	[sflag:s8] =	ssyncadd.s32 $0xFFFF8000  }
0x4c: {  	_ =	swait.ge [sflag:s12], $0x8000  }
0x4d: {  	[sflag:s12] =	ssyncset.done $0x0  }
.LBB2_2:
0x4e: {  	[sflag:s12] =	ssyncadd.s32 $0xFFFF8000  }
0x4f: {  	_ =	sfence.sel $0x180000  }
0x50: {  	[bflag:$0x0] =	sbarrier.arrive $0xFFFF  }
0x51: {  	p0 =	sne.s32 s0, $0x0;
	_ =	strace $0x90000047  }
0x52: {  	s0 =	sadd.s32 @!p0 $0x100000, s1;
	[bflag:$0x2] =	sbarrier.arrive $0xFFFF  }
0x53: {  	[sflag:s0] =	ssyncadd.tile.s32 @!p0 $0x1;
	_ =	shalt  }
.Lfunc_end2:
_tile_overlayer_lowered:
.L_overlay_start_2:
0x54: {  	(tag) =	ssettag $0x2  }
0x55: {  	s0 =	rddreg [dreg:$0x0];
	s2 =	stileid.u32  }
0x56: {  	s1 =	rddreg [dreg:$0x1];
	p0 =	sne.s32 s2, $0x0  }
0x57: {  	s3 =	rddreg [dreg:$0x2];
	[bflag:$0x3] =	sbarrier.arrive $0xFFFF;
	s2 =	simm.s32 @!p0 $0x1C03  }
0x58: {  	[timem:s3], [sflag:s2] =	dma.local @!p0 [hbm:s0], s1  }
0x59: {  	s0 =	simm.s32 @!p0 $0x3  }
0x5a: {  	_ =	swait.ge @!p0 [sflag:s0], s1  }
0x5b: {  	s1 =	ssub.s32 @!p0 $0x0, s1;
	[sflag:s0] =	ssyncset.done @!p0 $0x0  }
0x5c: {  	[sflag:s0] =	ssyncadd.s32 @!p0 s1  }
0x5d: {  	[bflag:$0x3] =	sbarrier.arrive $0xFFFF  }
0x5e: {  	_ =	shalt  }

</sc_bundles>
